<compile_context>
chip_gen: v7x
topology: tpu7x:2x2x1
jax: 0.10.2.dev20260603
libtpu: 0.0.44.dev20260713+nightly
codegen_flags: <defaults>
</compile_context>

<pallas_src>
import functools

import jax
import jax.numpy as jnp
import numpy as np
from jax import lax
from jax.experimental import pallas as pl
from jax.experimental.pallas import tpu as pltpu
from jax.experimental.pallas import tpu_sc as plsc

_Z_BINS = 64
_MAX_Z = 127
_EMBED_DIM = 128
_BATCH = 16384

_NUM_WORKERS = 32
_ROWS_PER_WORKER = _BATCH // _NUM_WORKERS
_IDX_CHUNK = 128
_CHUNKS = _ROWS_PER_WORKER // _IDX_CHUNK
_TABLE_ROWS = 136


def _sin_rows() -> np.ndarray:
    position = np.arange(_MAX_Z)[:, None].astype(np.float32)
    div_term = np.exp(
        np.arange(0, _EMBED_DIM, 2).astype(np.float32)
        * (-np.log(10000.0) / _EMBED_DIM)
    )
    pe = np.zeros((_MAX_Z, _EMBED_DIM), dtype=np.float32)
    pe[:, 0::2] = np.sin(position * div_term)
    pe[:, 1::2] = np.cos(position * div_term)
    z_bin = np.arange(_Z_BINS, dtype=np.float32)
    z_idx = ((z_bin + 0.5) / _Z_BINS * _MAX_Z).astype(np.int32)
    z_idx = np.clip(z_idx, 0, _MAX_Z - 1)
    return pe[z_idx]


_SIN = _sin_rows()


def _table_body(sin_ref, path_ref, bin_ref, wzc_ref, bzc_ref, wc_ref, bc_ref,
                null_ref, out_ref):
    def dot_t(a, b):
        return lax.dot_general(a, b, (((1,), (1,)), ((), ())),
                               preferred_element_type=jnp.float32)

    z_emb = (dot_t(bin_ref[:], wzc_ref[:, 0:_EMBED_DIM])
             + dot_t(sin_ref[:], wzc_ref[:, _EMBED_DIM:2 * _EMBED_DIM])
             + bzc_ref[:])
    z_part = dot_t(z_emb, wc_ref[:, _EMBED_DIM:2 * _EMBED_DIM]) + bc_ref[:]
    p_part = dot_t(path_ref[:], wc_ref[:, 0:_EMBED_DIM])
    out_ref[0:_Z_BINS, :] = z_part + jnp.broadcast_to(
        p_part[0:1, :], (_Z_BINS, _EMBED_DIM))
    out_ref[_Z_BINS:_EMBED_DIM, :] = z_part + jnp.broadcast_to(
        p_part[1:2, :], (_Z_BINS, _EMBED_DIM))
    out_ref[_EMBED_DIM:_TABLE_ROWS, :] = jnp.broadcast_to(
        null_ref[:], (_TABLE_ROWS - _EMBED_DIM, _EMBED_DIM))


def _build_table(path_table, bin_table, W_zc, b_zc, W_c, b_c, null_emb):
    return pl.pallas_call(
        _table_body,
        out_shape=jax.ShapeDtypeStruct((_TABLE_ROWS, _EMBED_DIM), jnp.float32),
    )(_SIN, path_table, bin_table, W_zc, b_zc.reshape(1, _EMBED_DIM),
      W_c, b_c.reshape(1, _EMBED_DIM), null_emb)


_TABLE_WORDS = _TABLE_ROWS * _EMBED_DIM
_CHUNK_WORDS = _IDX_CHUNK * _EMBED_DIM
_LANES = 16
_GROUPS = _EMBED_DIM // _LANES


@functools.cache
def _make_gather():
    @functools.partial(
        pl.kernel,
        mesh=plsc.VectorSubcoreMesh(core_axis_name="c", subcore_axis_name="s"),
        out_type=jax.ShapeDtypeStruct(
            (_NUM_WORKERS, _CHUNKS, _IDX_CHUNK, _EMBED_DIM), jnp.float32),
        scratch_types=[
            pltpu.VMEM_SHARED((_TABLE_ROWS, _EMBED_DIM), jnp.float32),
            pltpu.VMEM((_CHUNKS, _IDX_CHUNK), jnp.int32),
            pltpu.VMEM((_CHUNKS, _IDX_CHUNK, _EMBED_DIM), jnp.float32),
            pltpu.SemaphoreType.DMA,
            pltpu.SemaphoreType.DMA,
        ],
    )
    def _gather_rows(table_hbm, tokens_hbm, out_hbm, table_sh, idx_v, rows_v,
                     gsem, osem):
        wid = lax.axis_index("s") * 2 + lax.axis_index("c")
        @pl.when(lax.axis_index("s") == 0)
        def _():
            pltpu.sync_copy(table_hbm, table_sh)

        pltpu.sync_copy(tokens_hbm.at[wid], idx_v)
        plsc.subcore_barrier()
        gathers = [
            pltpu.async_copy(table_sh.at[idx_v.at[j]], rows_v.at[j], gsem)
            for j in range(_CHUNKS)
        ]
        outs = []
        for j in range(_CHUNKS):
            gathers[j].wait()
            outs.append(
                pltpu.async_copy(rows_v.at[j], out_hbm.at[wid, j], osem))
        for o in outs:
            o.wait()

    return _gather_rows


def kernel(tokens, path_table, bin_table, W_zc, b_zc, W_c, b_c, null_emb):
    table = _build_table(path_table, bin_table, W_zc, b_zc, W_c, b_c, null_emb)
    tokens3 = tokens.reshape(_NUM_WORKERS, _CHUNKS, _IDX_CHUNK)
    out = _make_gather()(table, tokens3)
    return out.reshape(_BATCH, _EMBED_DIM)

# --- scband reference (transcript-rebuilt; emitter-appended) ---
"""Pipeline reference for scband-conditional-embedding-with-sinusoidal-33277406609625 (READ-ONLY COPY).

The authoritative reference and input builder live on the scoring server;
editing this copy changes nothing except your own understanding.
"""

import jax, jax.numpy as jnp
import numpy as np

Z_BINS = 64
MAX_Z = 127
EMBED_DIM = 128
BATCH = 16384


def _make_pe(dim, max_positions):
    position = np.arange(max_positions)[:, None].astype(np.float32)
    div_term = np.exp(np.arange(0, dim, 2).astype(np.float32) * (-np.log(10000.0) / dim))
    pe = np.zeros((max_positions, dim), dtype=np.float32)
    pe[:, 0::2] = np.sin(position * div_term)
    pe[:, 1::2] = np.cos(position * div_term)
    return jnp.asarray(pe)


def setup_inputs(seed: int = 0) -> dict:
    key = jax.random.key(seed)
    ks = jax.random.split(key, 8)
    tokens = jax.random.randint(ks[0], (BATCH,), 0, 129, dtype=jnp.int32)
    path_table = jax.random.normal(ks[1], (2, EMBED_DIM), dtype=jnp.float32)
    bin_table = jax.random.normal(ks[2], (Z_BINS, EMBED_DIM), dtype=jnp.float32)
    W_zc = jax.random.normal(ks[3], (EMBED_DIM, 2 * EMBED_DIM), dtype=jnp.float32) * 0.02
    b_zc = jax.random.normal(ks[4], (EMBED_DIM,), dtype=jnp.float32) * 0.02
    W_c = jax.random.normal(ks[5], (EMBED_DIM, 2 * EMBED_DIM), dtype=jnp.float32) * 0.02
    b_c = jax.random.normal(ks[6], (EMBED_DIM,), dtype=jnp.float32) * 0.02
    null_emb = jax.random.normal(ks[7], (1, EMBED_DIM), dtype=jnp.float32) * 0.02
    return {"tokens": tokens, "path_table": path_table, "bin_table": bin_table,
            "W_zc": W_zc, "b_zc": b_zc, "W_c": W_c, "b_c": b_c, "null_emb": null_emb}


def reference(tokens, path_table, bin_table, W_zc, b_zc, W_c, b_c, null_emb):
    pe = _make_pe(EMBED_DIM, MAX_Z)
    is_null = tokens >= 2 * Z_BINS
    safe_tokens = jnp.where(is_null, jnp.zeros_like(tokens), tokens)
    pathology_class = safe_tokens // Z_BINS
    z_bin = safe_tokens % Z_BINS
    pathology_class = jnp.clip(pathology_class, 0, 1)
    z_bin = jnp.clip(z_bin, 0, Z_BINS - 1)
    path_emb = jnp.take(path_table, pathology_class, axis=0)
    z_indices = ((z_bin.astype(jnp.float32) + 0.5) / Z_BINS * MAX_Z).astype(jnp.int32)
    z_indices = jnp.clip(z_indices, 0, MAX_Z)
    bin_emb = jnp.take(bin_table, z_bin, axis=0)
    sin_emb = jnp.take(pe, z_indices, axis=0)
    z_combined = jnp.concatenate([bin_emb, sin_emb], axis=-1)
    z_emb = z_combined @ W_zc.T + b_zc
    combined = jnp.concatenate([path_emb, z_emb], axis=-1)
    emb = combined @ W_c.T + b_c
    emb = jnp.where(is_null[:, None], jnp.broadcast_to(null_emb, emb.shape), emb)
    return emb

if __name__ == "__main__":
    import jax
    _d = setup_inputs()
    print(jax.jit(kernel)(*tuple(_d.values())))

</pallas_src>

<mosaic_0001>
#map = affine_map<(d0, d1) -> (0, 0)>
#map1 = affine_map<(d0, d1) -> (0, 0, 0)>
#map2 = affine_map<(d0, d1) -> (0, 0, 0, 0)>
module attributes {stable_mosaic.version = 14 : i64} {
  func.func @_gather_rows(%arg0: i32, %arg1: i32, %arg2: memref<136x128xf32, #tpu.memory_space<hbm>>, %arg3: memref<32x4x128xi32, #tpu.memory_space<hbm>>, %arg4: memref<32x4x128x128xf32, #tpu.memory_space<hbm>>, %arg5: memref<136x128xf32, #tpu.memory_space<vmem_shared>>, %arg6: memref<4x128xi32, #tpu.memory_space<vmem>>, %arg7: memref<4x128x128xf32, #tpu.memory_space<vmem>>, %arg8: memref<!tpu.dma_semaphore, #tpu.memory_space<semaphore_mem>>, %arg9: memref<!tpu.dma_semaphore, #tpu.memory_space<semaphore_mem>>) attributes {dimension_semantics = [#tpu.dimension_semantics<core_parallel>, #tpu.dimension_semantics<subcore_parallel>], iteration_bounds = array<i64: 2, 16>, scalar_prefetch = 0 : i64, scratch_operands = 5 : i64, tpu.core_type = #tpu.core_type<sc_vector_subcore>, window_params = [{transform_indices = #map}, {transform_indices = #map1}, {transform_indices = #map2}]} {
    %mul3A = arith.constant 2 : i32
    %mul3A_0 = arith.muli %arg1, %mul3A : i32
    %add3A = arith.addi %mul3A_0, %arg0 : i32
    %eq3A = arith.constant 0 : i32
    %eq3A_1 = arith.cmpi eq, %arg1, %eq3A : i32
    %convert_element_type3A = arith.extui %eq3A_1 : i1 to i32
    %cond3A = arith.constant 0 : i32
    %cond3A_2 = arith.cmpi ne, %convert_element_type3A, %cond3A : i32
    scf.if %cond3A_2 {
      "tpu.region"() ({
        %run_scoped3A = tpu.sem_alloc : memref<!tpu.dma_semaphore, #tpu.memory_space<semaphore_mem>>
        tpu.enqueue_dma source(%arg2 : memref<136x128xf32, #tpu.memory_space<hbm>>) target(%arg5 : memref<136x128xf32, #tpu.memory_space<vmem_shared>>) target_semaphore(%run_scoped3A : memref<!tpu.dma_semaphore, #tpu.memory_space<semaphore_mem>>)
        tpu.wait_dma2 semaphore(%run_scoped3A : memref<!tpu.dma_semaphore, #tpu.memory_space<semaphore_mem>>) src(%arg2 : memref<136x128xf32, #tpu.memory_space<hbm>>) dst(%arg5 : memref<136x128xf32, #tpu.memory_space<vmem_shared>>)
        tpu.yield
      }) : () -> ()
    } else {
    }
    "tpu.region"() ({
      %run_scoped3A = tpu.sem_alloc : memref<!tpu.dma_semaphore, #tpu.memory_space<semaphore_mem>>
      %dma_start3A_241 = arith.constant 0 : i32
      %dma_start3A_242 = arith.constant 0 : i32
      %dma_start3A_243 = tpu.memref_slice %arg3[%add3A, %dma_start3A_241, %dma_start3A_242] : memref<32x4x128xi32, #tpu.memory_space<hbm>> -> memref<1x4x128xi32, #tpu.memory_space<hbm>>
      %dma_start3A_244 = tpu.memref_squeeze %dma_start3A_243 : memref<1x4x128xi32, #tpu.memory_space<hbm>> -> memref<4x128xi32, #tpu.memory_space<hbm>>
      %dma_start3A_245 = arith.constant 0 : i32
      %dma_start3A_246 = arith.constant 0 : i32
      %dma_start3A_247 = tpu.memref_slice %arg3[%add3A, %dma_start3A_245, %dma_start3A_246] : memref<32x4x128xi32, #tpu.memory_space<hbm>> -> memref<1x4x128xi32, #tpu.memory_space<hbm>>
      %dma_start3A_248 = tpu.memref_squeeze %dma_start3A_247 : memref<1x4x128xi32, #tpu.memory_space<hbm>> -> memref<4x128xi32, #tpu.memory_space<hbm>>
      tpu.enqueue_dma source(%dma_start3A_248 : memref<4x128xi32, #tpu.memory_space<hbm>>) target(%arg6 : memref<4x128xi32, #tpu.memory_space<vmem>>) target_semaphore(%run_scoped3A : memref<!tpu.dma_semaphore, #tpu.memory_space<semaphore_mem>>)
      %dma_wait3A_249 = arith.constant 0 : i32
      %dma_wait3A_250 = arith.constant 0 : i32
      %dma_wait3A_251 = tpu.memref_slice %arg3[%add3A, %dma_wait3A_249, %dma_wait3A_250] : memref<32x4x128xi32, #tpu.memory_space<hbm>> -> memref<1x4x128xi32, #tpu.memory_space<hbm>>
      %dma_wait3A_252 = tpu.memref_squeeze %dma_wait3A_251 : memref<1x4x128xi32, #tpu.memory_space<hbm>> -> memref<4x128xi32, #tpu.memory_space<hbm>>
      %dma_wait3A_253 = arith.constant 0 : i32
      %dma_wait3A_254 = arith.constant 0 : i32
      %dma_wait3A_255 = tpu.memref_slice %arg3[%add3A, %dma_wait3A_253, %dma_wait3A_254] : memref<32x4x128xi32, #tpu.memory_space<hbm>> -> memref<1x4x128xi32, #tpu.memory_space<hbm>>
      %dma_wait3A_256 = tpu.memref_squeeze %dma_wait3A_255 : memref<1x4x128xi32, #tpu.memory_space<hbm>> -> memref<4x128xi32, #tpu.memory_space<hbm>>
      tpu.wait_dma2 semaphore(%run_scoped3A : memref<!tpu.dma_semaphore, #tpu.memory_space<semaphore_mem>>) src(%dma_wait3A_256 : memref<4x128xi32, #tpu.memory_space<hbm>>) dst(%arg6 : memref<4x128xi32, #tpu.memory_space<vmem>>)
      tpu.yield
    }) : () -> ()
    %barrier3A = arith.constant 0 : index
    tpu.barrier barrier_id(%barrier3A)
    %dma_start3A = arith.constant 0 : i32
    %dma_start3A_3 = arith.constant 0 : i32
    %dma_start3A_4 = arith.constant 0 : i32
    %dma_start3A_5 = arith.constant 0 : i32
    %dma_start3A_6 = tpu.memref_slice %arg7[%dma_start3A_3, %dma_start3A_4, %dma_start3A_5] : memref<4x128x128xf32, #tpu.memory_space<vmem>> -> memref<1x128x128xf32, #tpu.memory_space<vmem>>
    %dma_start3A_7 = tpu.memref_squeeze %dma_start3A_6 : memref<1x128x128xf32, #tpu.memory_space<vmem>> -> memref<128x128xf32, #tpu.memory_space<vmem>>
    %dma_start3A_8 = arith.constant 0 : i32
    %dma_start3A_9 = tpu.memref_slice %arg6[%dma_start3A, %dma_start3A_8] : memref<4x128xi32, #tpu.memory_space<vmem>> -> memref<1x128xi32, #tpu.memory_space<vmem>>
    %dma_start3A_10 = tpu.memref_squeeze %dma_start3A_9 : memref<1x128xi32, #tpu.memory_space<vmem>> -> memref<128xi32, #tpu.memory_space<vmem>>
    %dma_start3A_11 = arith.constant 0 : i32
    %dma_start3A_12 = arith.constant 0 : i32
    %dma_start3A_13 = tpu.memref_slice %arg5[%dma_start3A_11, %dma_start3A_12] : memref<136x128xf32, #tpu.memory_space<vmem_shared>> -> memref<136x128xf32, #tpu.memory_space<vmem_shared>>
    tpu.enqueue_indirect_dma source(%dma_start3A_13 : memref<136x128xf32, #tpu.memory_space<vmem_shared>>) target(%dma_start3A_7 : memref<128x128xf32, #tpu.memory_space<vmem>>) offsets(%dma_start3A_10 : memref<128xi32, #tpu.memory_space<vmem>>) semaphore(%arg8 : memref<!tpu.dma_semaphore, #tpu.memory_space<semaphore_mem>>)
    %dma_start3A_14 = arith.constant 1 : i32
    %dma_start3A_15 = arith.constant 1 : i32
    %dma_start3A_16 = arith.constant 0 : i32
    %dma_start3A_17 = arith.constant 0 : i32
    %dma_start3A_18 = tpu.memref_slice %arg7[%dma_start3A_15, %dma_start3A_16, %dma_start3A_17] : memref<4x128x128xf32, #tpu.memory_space<vmem>> -> memref<1x128x128xf32, #tpu.memory_space<vmem>>
    %dma_start3A_19 = tpu.memref_squeeze %dma_start3A_18 : memref<1x128x128xf32, #tpu.memory_space<vmem>> -> memref<128x128xf32, #tpu.memory_space<vmem>>
    %dma_start3A_20 = arith.constant 0 : i32
    %dma_start3A_21 = tpu.memref_slice %arg6[%dma_start3A_14, %dma_start3A_20] : memref<4x128xi32, #tpu.memory_space<vmem>> -> memref<1x128xi32, #tpu.memory_space<vmem>>
    %dma_start3A_22 = tpu.memref_squeeze %dma_start3A_21 : memref<1x128xi32, #tpu.memory_space<vmem>> -> memref<128xi32, #tpu.memory_space<vmem>>
    %dma_start3A_23 = arith.constant 0 : i32
    %dma_start3A_24 = arith.constant 0 : i32
    %dma_start3A_25 = tpu.memref_slice %arg5[%dma_start3A_23, %dma_start3A_24] : memref<136x128xf32, #tpu.memory_space<vmem_shared>> -> memref<136x128xf32, #tpu.memory_space<vmem_shared>>
    tpu.enqueue_indirect_dma source(%dma_start3A_25 : memref<136x128xf32, #tpu.memory_space<vmem_shared>>) target(%dma_start3A_19 : memref<128x128xf32, #tpu.memory_space<vmem>>) offsets(%dma_start3A_22 : memref<128xi32, #tpu.memory_space<vmem>>) semaphore(%arg8 : memref<!tpu.dma_semaphore, #tpu.memory_space<semaphore_mem>>)
    %dma_start3A_26 = arith.constant 2 : i32
    %dma_start3A_27 = arith.constant 2 : i32
    %dma_start3A_28 = arith.constant 0 : i32
    %dma_start3A_29 = arith.constant 0 : i32
    %dma_start3A_30 = tpu.memref_slice %arg7[%dma_start3A_27, %dma_start3A_28, %dma_start3A_29] : memref<4x128x128xf32, #tpu.memory_space<vmem>> -> memref<1x128x128xf32, #tpu.memory_space<vmem>>
    %dma_start3A_31 = tpu.memref_squeeze %dma_start3A_30 : memref<1x128x128xf32, #tpu.memory_space<vmem>> -> memref<128x128xf32, #tpu.memory_space<vmem>>
    %dma_start3A_32 = arith.constant 0 : i32
    %dma_start3A_33 = tpu.memref_slice %arg6[%dma_start3A_26, %dma_start3A_32] : memref<4x128xi32, #tpu.memory_space<vmem>> -> memref<1x128xi32, #tpu.memory_space<vmem>>
    %dma_start3A_34 = tpu.memref_squeeze %dma_start3A_33 : memref<1x128xi32, #tpu.memory_space<vmem>> -> memref<128xi32, #tpu.memory_space<vmem>>
    %dma_start3A_35 = arith.constant 0 : i32
    %dma_start3A_36 = arith.constant 0 : i32
    %dma_start3A_37 = tpu.memref_slice %arg5[%dma_start3A_35, %dma_start3A_36] : memref<136x128xf32, #tpu.memory_space<vmem_shared>> -> memref<136x128xf32, #tpu.memory_space<vmem_shared>>
    tpu.enqueue_indirect_dma source(%dma_start3A_37 : memref<136x128xf32, #tpu.memory_space<vmem_shared>>) target(%dma_start3A_31 : memref<128x128xf32, #tpu.memory_space<vmem>>) offsets(%dma_start3A_34 : memref<128xi32, #tpu.memory_space<vmem>>) semaphore(%arg8 : memref<!tpu.dma_semaphore, #tpu.memory_space<semaphore_mem>>)
    %dma_start3A_38 = arith.constant 3 : i32
    %dma_start3A_39 = arith.constant 3 : i32
    %dma_start3A_40 = arith.constant 0 : i32
    %dma_start3A_41 = arith.constant 0 : i32
    %dma_start3A_42 = tpu.memref_slice %arg7[%dma_start3A_39, %dma_start3A_40, %dma_start3A_41] : memref<4x128x128xf32, #tpu.memory_space<vmem>> -> memref<1x128x128xf32, #tpu.memory_space<vmem>>
    %dma_start3A_43 = tpu.memref_squeeze %dma_start3A_42 : memref<1x128x128xf32, #tpu.memory_space<vmem>> -> memref<128x128xf32, #tpu.memory_space<vmem>>
    %dma_start3A_44 = arith.constant 0 : i32
    %dma_start3A_45 = tpu.memref_slice %arg6[%dma_start3A_38, %dma_start3A_44] : memref<4x128xi32, #tpu.memory_space<vmem>> -> memref<1x128xi32, #tpu.memory_space<vmem>>
    %dma_start3A_46 = tpu.memref_squeeze %dma_start3A_45 : memref<1x128xi32, #tpu.memory_space<vmem>> -> memref<128xi32, #tpu.memory_space<vmem>>
    %dma_start3A_47 = arith.constant 0 : i32
    %dma_start3A_48 = arith.constant 0 : i32
    %dma_start3A_49 = tpu.memref_slice %arg5[%dma_start3A_47, %dma_start3A_48] : memref<136x128xf32, #tpu.memory_space<vmem_shared>> -> memref<136x128xf32, #tpu.memory_space<vmem_shared>>
    tpu.enqueue_indirect_dma source(%dma_start3A_49 : memref<136x128xf32, #tpu.memory_space<vmem_shared>>) target(%dma_start3A_43 : memref<128x128xf32, #tpu.memory_space<vmem>>) offsets(%dma_start3A_46 : memref<128xi32, #tpu.memory_space<vmem>>) semaphore(%arg8 : memref<!tpu.dma_semaphore, #tpu.memory_space<semaphore_mem>>)
    %dma_wait3A = arith.constant 0 : i32
    %dma_wait3A_50 = arith.constant 0 : i32
    %dma_wait3A_51 = arith.constant 0 : i32
    %dma_wait3A_52 = arith.constant 0 : i32
    %dma_wait3A_53 = tpu.memref_slice %arg7[%dma_wait3A_50, %dma_wait3A_51, %dma_wait3A_52] : memref<4x128x128xf32, #tpu.memory_space<vmem>> -> memref<1x128x128xf32, #tpu.memory_space<vmem>>
    %dma_wait3A_54 = tpu.memref_squeeze %dma_wait3A_53 : memref<1x128x128xf32, #tpu.memory_space<vmem>> -> memref<128x128xf32, #tpu.memory_space<vmem>>
    %dma_wait3A_55 = arith.constant 0 : i32
    %dma_wait3A_56 = tpu.memref_slice %arg6[%dma_wait3A, %dma_wait3A_55] : memref<4x128xi32, #tpu.memory_space<vmem>> -> memref<1x128xi32, #tpu.memory_space<vmem>>
    %dma_wait3A_57 = tpu.memref_squeeze %dma_wait3A_56 : memref<1x128xi32, #tpu.memory_space<vmem>> -> memref<128xi32, #tpu.memory_space<vmem>>
    %dma_wait3A_58 = arith.constant 0 : i32
    %dma_wait3A_59 = arith.constant 0 : i32
    %dma_wait3A_60 = tpu.memref_slice %arg5[%dma_wait3A_58, %dma_wait3A_59] : memref<136x128xf32, #tpu.memory_space<vmem_shared>> -> memref<136x128xf32, #tpu.memory_space<vmem_shared>>
    tpu.wait_indirect_dma semaphore(%arg8 : memref<!tpu.dma_semaphore, #tpu.memory_space<semaphore_mem>>) src(%dma_wait3A_60 : memref<136x128xf32, #tpu.memory_space<vmem_shared>>) dst(%dma_wait3A_54 : memref<128x128xf32, #tpu.memory_space<vmem>>)
    %dma_start3A_61 = arith.constant 0 : i32
    %dma_start3A_62 = arith.constant 0 : i32
    %dma_start3A_63 = arith.constant 0 : i32
    %dma_start3A_64 = arith.constant 0 : i32
    %dma_start3A_65 = tpu.memref_slice %arg7[%dma_start3A_61, %dma_start3A_63, %dma_start3A_64] : memref<4x128x128xf32, #tpu.memory_space<vmem>> -> memref<1x128x128xf32, #tpu.memory_space<vmem>>
    %dma_start3A_66 = tpu.memref_squeeze %dma_start3A_65 : memref<1x128x128xf32, #tpu.memory_space<vmem>> -> memref<128x128xf32, #tpu.memory_space<vmem>>
    %dma_start3A_67 = arith.constant 0 : i32
    %dma_start3A_68 = arith.constant 0 : i32
    %dma_start3A_69 = tpu.memref_slice %arg4[%add3A, %dma_start3A_62, %dma_start3A_67, %dma_start3A_68] : memref<32x4x128x128xf32, #tpu.memory_space<hbm>> -> memref<1x1x128x128xf32, #tpu.memory_space<hbm>>
    %dma_start3A_70 = tpu.memref_squeeze %dma_start3A_69 : memref<1x1x128x128xf32, #tpu.memory_space<hbm>> -> memref<128x128xf32, #tpu.memory_space<hbm>>
    %dma_start3A_71 = arith.constant 0 : i32
    %dma_start3A_72 = arith.constant 0 : i32
    %dma_start3A_73 = tpu.memref_slice %arg4[%add3A, %dma_start3A_62, %dma_start3A_71, %dma_start3A_72] : memref<32x4x128x128xf32, #tpu.memory_space<hbm>> -> memref<1x1x128x128xf32, #tpu.memory_space<hbm>>
    %dma_start3A_74 = tpu.memref_squeeze %dma_start3A_73 : memref<1x1x128x128xf32, #tpu.memory_space<hbm>> -> memref<128x128xf32, #tpu.memory_space<hbm>>
    %dma_start3A_75 = arith.constant 0 : i32
    %dma_start3A_76 = arith.constant 0 : i32
    %dma_start3A_77 = tpu.memref_slice %arg7[%dma_start3A_61, %dma_start3A_75, %dma_start3A_76] : memref<4x128x128xf32, #tpu.memory_space<vmem>> -> memref<1x128x128xf32, #tpu.memory_space<vmem>>
    %dma_start3A_78 = tpu.memref_squeeze %dma_start3A_77 : memref<1x128x128xf32, #tpu.memory_space<vmem>> -> memref<128x128xf32, #tpu.memory_space<vmem>>
    tpu.enqueue_dma source(%dma_start3A_78 : memref<128x128xf32, #tpu.memory_space<vmem>>) target(%dma_start3A_74 : memref<128x128xf32, #tpu.memory_space<hbm>>) target_semaphore(%arg9 : memref<!tpu.dma_semaphore, #tpu.memory_space<semaphore_mem>>)
    %dma_wait3A_79 = arith.constant 1 : i32
    %dma_wait3A_80 = arith.constant 1 : i32
    %dma_wait3A_81 = arith.constant 0 : i32
    %dma_wait3A_82 = arith.constant 0 : i32
    %dma_wait3A_83 = tpu.memref_slice %arg7[%dma_wait3A_80, %dma_wait3A_81, %dma_wait3A_82] : memref<4x128x128xf32, #tpu.memory_space<vmem>> -> memref<1x128x128xf32, #tpu.memory_space<vmem>>
    %dma_wait3A_84 = tpu.memref_squeeze %dma_wait3A_83 : memref<1x128x128xf32, #tpu.memory_space<vmem>> -> memref<128x128xf32, #tpu.memory_space<vmem>>
    %dma_wait3A_85 = arith.constant 0 : i32
    %dma_wait3A_86 = tpu.memref_slice %arg6[%dma_wait3A_79, %dma_wait3A_85] : memref<4x128xi32, #tpu.memory_space<vmem>> -> memref<1x128xi32, #tpu.memory_space<vmem>>
    %dma_wait3A_87 = tpu.memref_squeeze %dma_wait3A_86 : memref<1x128xi32, #tpu.memory_space<vmem>> -> memref<128xi32, #tpu.memory_space<vmem>>
    %dma_wait3A_88 = arith.constant 0 : i32
    %dma_wait3A_89 = arith.constant 0 : i32
    %dma_wait3A_90 = tpu.memref_slice %arg5[%dma_wait3A_88, %dma_wait3A_89] : memref<136x128xf32, #tpu.memory_space<vmem_shared>> -> memref<136x128xf32, #tpu.memory_space<vmem_shared>>
    tpu.wait_indirect_dma semaphore(%arg8 : memref<!tpu.dma_semaphore, #tpu.memory_space<semaphore_mem>>) src(%dma_wait3A_90 : memref<136x128xf32, #tpu.memory_space<vmem_shared>>) dst(%dma_wait3A_84 : memref<128x128xf32, #tpu.memory_space<vmem>>)
    %dma_start3A_91 = arith.constant 1 : i32
    %dma_start3A_92 = arith.constant 1 : i32
    %dma_start3A_93 = arith.constant 0 : i32
    %dma_start3A_94 = arith.constant 0 : i32
    %dma_start3A_95 = tpu.memref_slice %arg7[%dma_start3A_91, %dma_start3A_93, %dma_start3A_94] : memref<4x128x128xf32, #tpu.memory_space<vmem>> -> memref<1x128x128xf32, #tpu.memory_space<vmem>>
    %dma_start3A_96 = tpu.memref_squeeze %dma_start3A_95 : memref<1x128x128xf32, #tpu.memory_space<vmem>> -> memref<128x128xf32, #tpu.memory_space<vmem>>
    %dma_start3A_97 = arith.constant 0 : i32
    %dma_start3A_98 = arith.constant 0 : i32
    %dma_start3A_99 = tpu.memref_slice %arg4[%add3A, %dma_start3A_92, %dma_start3A_97, %dma_start3A_98] : memref<32x4x128x128xf32, #tpu.memory_space<hbm>> -> memref<1x1x128x128xf32, #tpu.memory_space<hbm>>
    %dma_start3A_100 = tpu.memref_squeeze %dma_start3A_99 : memref<1x1x128x128xf32, #tpu.memory_space<hbm>> -> memref<128x128xf32, #tpu.memory_space<hbm>>
    %dma_start3A_101 = arith.constant 0 : i32
    %dma_start3A_102 = arith.constant 0 : i32
    %dma_start3A_103 = tpu.memref_slice %arg4[%add3A, %dma_start3A_92, %dma_start3A_101, %dma_start3A_102] : memref<32x4x128x128xf32, #tpu.memory_space<hbm>> -> memref<1x1x128x128xf32, #tpu.memory_space<hbm>>
    %dma_start3A_104 = tpu.memref_squeeze %dma_start3A_103 : memref<1x1x128x128xf32, #tpu.memory_space<hbm>> -> memref<128x128xf32, #tpu.memory_space<hbm>>
    %dma_start3A_105 = arith.constant 0 : i32
    %dma_start3A_106 = arith.constant 0 : i32
    %dma_start3A_107 = tpu.memref_slice %arg7[%dma_start3A_91, %dma_start3A_105, %dma_start3A_106] : memref<4x128x128xf32, #tpu.memory_space<vmem>> -> memref<1x128x128xf32, #tpu.memory_space<vmem>>
    %dma_start3A_108 = tpu.memref_squeeze %dma_start3A_107 : memref<1x128x128xf32, #tpu.memory_space<vmem>> -> memref<128x128xf32, #tpu.memory_space<vmem>>
    tpu.enqueue_dma source(%dma_start3A_108 : memref<128x128xf32, #tpu.memory_space<vmem>>) target(%dma_start3A_104 : memref<128x128xf32, #tpu.memory_space<hbm>>) target_semaphore(%arg9 : memref<!tpu.dma_semaphore, #tpu.memory_space<semaphore_mem>>)
    %dma_wait3A_109 = arith.constant 2 : i32
    %dma_wait3A_110 = arith.constant 2 : i32
    %dma_wait3A_111 = arith.constant 0 : i32
    %dma_wait3A_112 = arith.constant 0 : i32
    %dma_wait3A_113 = tpu.memref_slice %arg7[%dma_wait3A_110, %dma_wait3A_111, %dma_wait3A_112] : memref<4x128x128xf32, #tpu.memory_space<vmem>> -> memref<1x128x128xf32, #tpu.memory_space<vmem>>
    %dma_wait3A_114 = tpu.memref_squeeze %dma_wait3A_113 : memref<1x128x128xf32, #tpu.memory_space<vmem>> -> memref<128x128xf32, #tpu.memory_space<vmem>>
    %dma_wait3A_115 = arith.constant 0 : i32
    %dma_wait3A_116 = tpu.memref_slice %arg6[%dma_wait3A_109, %dma_wait3A_115] : memref<4x128xi32, #tpu.memory_space<vmem>> -> memref<1x128xi32, #tpu.memory_space<vmem>>
    %dma_wait3A_117 = tpu.memref_squeeze %dma_wait3A_116 : memref<1x128xi32, #tpu.memory_space<vmem>> -> memref<128xi32, #tpu.memory_space<vmem>>
    %dma_wait3A_118 = arith.constant 0 : i32
    %dma_wait3A_119 = arith.constant 0 : i32
    %dma_wait3A_120 = tpu.memref_slice %arg5[%dma_wait3A_118, %dma_wait3A_119] : memref<136x128xf32, #tpu.memory_space<vmem_shared>> -> memref<136x128xf32, #tpu.memory_space<vmem_shared>>
    tpu.wait_indirect_dma semaphore(%arg8 : memref<!tpu.dma_semaphore, #tpu.memory_space<semaphore_mem>>) src(%dma_wait3A_120 : memref<136x128xf32, #tpu.memory_space<vmem_shared>>) dst(%dma_wait3A_114 : memref<128x128xf32, #tpu.memory_space<vmem>>)
    %dma_start3A_121 = arith.constant 2 : i32
    %dma_start3A_122 = arith.constant 2 : i32
    %dma_start3A_123 = arith.constant 0 : i32
    %dma_start3A_124 = arith.constant 0 : i32
    %dma_start3A_125 = tpu.memref_slice %arg7[%dma_start3A_121, %dma_start3A_123, %dma_start3A_124] : memref<4x128x128xf32, #tpu.memory_space<vmem>> -> memref<1x128x128xf32, #tpu.memory_space<vmem>>
    %dma_start3A_126 = tpu.memref_squeeze %dma_start3A_125 : memref<1x128x128xf32, #tpu.memory_space<vmem>> -> memref<128x128xf32, #tpu.memory_space<vmem>>
    %dma_start3A_127 = arith.constant 0 : i32
    %dma_start3A_128 = arith.constant 0 : i32
    %dma_start3A_129 = tpu.memref_slice %arg4[%add3A, %dma_start3A_122, %dma_start3A_127, %dma_start3A_128] : memref<32x4x128x128xf32, #tpu.memory_space<hbm>> -> memref<1x1x128x128xf32, #tpu.memory_space<hbm>>
    %dma_start3A_130 = tpu.memref_squeeze %dma_start3A_129 : memref<1x1x128x128xf32, #tpu.memory_space<hbm>> -> memref<128x128xf32, #tpu.memory_space<hbm>>
    %dma_start3A_131 = arith.constant 0 : i32
    %dma_start3A_132 = arith.constant 0 : i32
    %dma_start3A_133 = tpu.memref_slice %arg4[%add3A, %dma_start3A_122, %dma_start3A_131, %dma_start3A_132] : memref<32x4x128x128xf32, #tpu.memory_space<hbm>> -> memref<1x1x128x128xf32, #tpu.memory_space<hbm>>
    %dma_start3A_134 = tpu.memref_squeeze %dma_start3A_133 : memref<1x1x128x128xf32, #tpu.memory_space<hbm>> -> memref<128x128xf32, #tpu.memory_space<hbm>>
    %dma_start3A_135 = arith.constant 0 : i32
    %dma_start3A_136 = arith.constant 0 : i32
    %dma_start3A_137 = tpu.memref_slice %arg7[%dma_start3A_121, %dma_start3A_135, %dma_start3A_136] : memref<4x128x128xf32, #tpu.memory_space<vmem>> -> memref<1x128x128xf32, #tpu.memory_space<vmem>>
    %dma_start3A_138 = tpu.memref_squeeze %dma_start3A_137 : memref<1x128x128xf32, #tpu.memory_space<vmem>> -> memref<128x128xf32, #tpu.memory_space<vmem>>
    tpu.enqueue_dma source(%dma_start3A_138 : memref<128x128xf32, #tpu.memory_space<vmem>>) target(%dma_start3A_134 : memref<128x128xf32, #tpu.memory_space<hbm>>) target_semaphore(%arg9 : memref<!tpu.dma_semaphore, #tpu.memory_space<semaphore_mem>>)
    %dma_wait3A_139 = arith.constant 3 : i32
    %dma_wait3A_140 = arith.constant 3 : i32
    %dma_wait3A_141 = arith.constant 0 : i32
    %dma_wait3A_142 = arith.constant 0 : i32
    %dma_wait3A_143 = tpu.memref_slice %arg7[%dma_wait3A_140, %dma_wait3A_141, %dma_wait3A_142] : memref<4x128x128xf32, #tpu.memory_space<vmem>> -> memref<1x128x128xf32, #tpu.memory_space<vmem>>
    %dma_wait3A_144 = tpu.memref_squeeze %dma_wait3A_143 : memref<1x128x128xf32, #tpu.memory_space<vmem>> -> memref<128x128xf32, #tpu.memory_space<vmem>>
    %dma_wait3A_145 = arith.constant 0 : i32
    %dma_wait3A_146 = tpu.memref_slice %arg6[%dma_wait3A_139, %dma_wait3A_145] : memref<4x128xi32, #tpu.memory_space<vmem>> -> memref<1x128xi32, #tpu.memory_space<vmem>>
    %dma_wait3A_147 = tpu.memref_squeeze %dma_wait3A_146 : memref<1x128xi32, #tpu.memory_space<vmem>> -> memref<128xi32, #tpu.memory_space<vmem>>
    %dma_wait3A_148 = arith.constant 0 : i32
    %dma_wait3A_149 = arith.constant 0 : i32
    %dma_wait3A_150 = tpu.memref_slice %arg5[%dma_wait3A_148, %dma_wait3A_149] : memref<136x128xf32, #tpu.memory_space<vmem_shared>> -> memref<136x128xf32, #tpu.memory_space<vmem_shared>>
    tpu.wait_indirect_dma semaphore(%arg8 : memref<!tpu.dma_semaphore, #tpu.memory_space<semaphore_mem>>) src(%dma_wait3A_150 : memref<136x128xf32, #tpu.memory_space<vmem_shared>>) dst(%dma_wait3A_144 : memref<128x128xf32, #tpu.memory_space<vmem>>)
    %dma_start3A_151 = arith.constant 3 : i32
    %dma_start3A_152 = arith.constant 3 : i32
    %dma_start3A_153 = arith.constant 0 : i32
    %dma_start3A_154 = arith.constant 0 : i32
    %dma_start3A_155 = tpu.memref_slice %arg7[%dma_start3A_151, %dma_start3A_153, %dma_start3A_154] : memref<4x128x128xf32, #tpu.memory_space<vmem>> -> memref<1x128x128xf32, #tpu.memory_space<vmem>>
    %dma_start3A_156 = tpu.memref_squeeze %dma_start3A_155 : memref<1x128x128xf32, #tpu.memory_space<vmem>> -> memref<128x128xf32, #tpu.memory_space<vmem>>
    %dma_start3A_157 = arith.constant 0 : i32
    %dma_start3A_158 = arith.constant 0 : i32
    %dma_start3A_159 = tpu.memref_slice %arg4[%add3A, %dma_start3A_152, %dma_start3A_157, %dma_start3A_158] : memref<32x4x128x128xf32, #tpu.memory_space<hbm>> -> memref<1x1x128x128xf32, #tpu.memory_space<hbm>>
    %dma_start3A_160 = tpu.memref_squeeze %dma_start3A_159 : memref<1x1x128x128xf32, #tpu.memory_space<hbm>> -> memref<128x128xf32, #tpu.memory_space<hbm>>
    %dma_start3A_161 = arith.constant 0 : i32
    %dma_start3A_162 = arith.constant 0 : i32
    %dma_start3A_163 = tpu.memref_slice %arg4[%add3A, %dma_start3A_152, %dma_start3A_161, %dma_start3A_162] : memref<32x4x128x128xf32, #tpu.memory_space<hbm>> -> memref<1x1x128x128xf32, #tpu.memory_space<hbm>>
    %dma_start3A_164 = tpu.memref_squeeze %dma_start3A_163 : memref<1x1x128x128xf32, #tpu.memory_space<hbm>> -> memref<128x128xf32, #tpu.memory_space<hbm>>
    %dma_start3A_165 = arith.constant 0 : i32
    %dma_start3A_166 = arith.constant 0 : i32
    %dma_start3A_167 = tpu.memref_slice %arg7[%dma_start3A_151, %dma_start3A_165, %dma_start3A_166] : memref<4x128x128xf32, #tpu.memory_space<vmem>> -> memref<1x128x128xf32, #tpu.memory_space<vmem>>
    %dma_start3A_168 = tpu.memref_squeeze %dma_start3A_167 : memref<1x128x128xf32, #tpu.memory_space<vmem>> -> memref<128x128xf32, #tpu.memory_space<vmem>>
    tpu.enqueue_dma source(%dma_start3A_168 : memref<128x128xf32, #tpu.memory_space<vmem>>) target(%dma_start3A_164 : memref<128x128xf32, #tpu.memory_space<hbm>>) target_semaphore(%arg9 : memref<!tpu.dma_semaphore, #tpu.memory_space<semaphore_mem>>)
    %dma_wait3A_169 = arith.constant 0 : i32
    %dma_wait3A_170 = arith.constant 0 : i32
    %dma_wait3A_171 = arith.constant 0 : i32
    %dma_wait3A_172 = arith.constant 0 : i32
    %dma_wait3A_173 = tpu.memref_slice %arg7[%dma_wait3A_169, %dma_wait3A_171, %dma_wait3A_172] : memref<4x128x128xf32, #tpu.memory_space<vmem>> -> memref<1x128x128xf32, #tpu.memory_space<vmem>>
    %dma_wait3A_174 = tpu.memref_squeeze %dma_wait3A_173 : memref<1x128x128xf32, #tpu.memory_space<vmem>> -> memref<128x128xf32, #tpu.memory_space<vmem>>
    %dma_wait3A_175 = arith.constant 0 : i32
    %dma_wait3A_176 = arith.constant 0 : i32
    %dma_wait3A_177 = tpu.memref_slice %arg4[%add3A, %dma_wait3A_170, %dma_wait3A_175, %dma_wait3A_176] : memref<32x4x128x128xf32, #tpu.memory_space<hbm>> -> memref<1x1x128x128xf32, #tpu.memory_space<hbm>>
    %dma_wait3A_178 = tpu.memref_squeeze %dma_wait3A_177 : memref<1x1x128x128xf32, #tpu.memory_space<hbm>> -> memref<128x128xf32, #tpu.memory_space<hbm>>
    %dma_wait3A_179 = arith.constant 0 : i32
    %dma_wait3A_180 = arith.constant 0 : i32
    %dma_wait3A_181 = tpu.memref_slice %arg4[%add3A, %dma_wait3A_170, %dma_wait3A_179, %dma_wait3A_180] : memref<32x4x128x128xf32, #tpu.memory_space<hbm>> -> memref<1x1x128x128xf32, #tpu.memory_space<hbm>>
    %dma_wait3A_182 = tpu.memref_squeeze %dma_wait3A_181 : memref<1x1x128x128xf32, #tpu.memory_space<hbm>> -> memref<128x128xf32, #tpu.memory_space<hbm>>
    %dma_wait3A_183 = arith.constant 0 : i32
    %dma_wait3A_184 = arith.constant 0 : i32
    %dma_wait3A_185 = tpu.memref_slice %arg7[%dma_wait3A_169, %dma_wait3A_183, %dma_wait3A_184] : memref<4x128x128xf32, #tpu.memory_space<vmem>> -> memref<1x128x128xf32, #tpu.memory_space<vmem>>
    %dma_wait3A_186 = tpu.memref_squeeze %dma_wait3A_185 : memref<1x128x128xf32, #tpu.memory_space<vmem>> -> memref<128x128xf32, #tpu.memory_space<vmem>>
    tpu.wait_dma2 semaphore(%arg9 : memref<!tpu.dma_semaphore, #tpu.memory_space<semaphore_mem>>) src(%dma_wait3A_186 : memref<128x128xf32, #tpu.memory_space<vmem>>) dst(%dma_wait3A_182 : memref<128x128xf32, #tpu.memory_space<hbm>>)
    %dma_wait3A_187 = arith.constant 1 : i32
    %dma_wait3A_188 = arith.constant 1 : i32
    %dma_wait3A_189 = arith.constant 0 : i32
    %dma_wait3A_190 = arith.constant 0 : i32
    %dma_wait3A_191 = tpu.memref_slice %arg7[%dma_wait3A_187, %dma_wait3A_189, %dma_wait3A_190] : memref<4x128x128xf32, #tpu.memory_space<vmem>> -> memref<1x128x128xf32, #tpu.memory_space<vmem>>
    %dma_wait3A_192 = tpu.memref_squeeze %dma_wait3A_191 : memref<1x128x128xf32, #tpu.memory_space<vmem>> -> memref<128x128xf32, #tpu.memory_space<vmem>>
    %dma_wait3A_193 = arith.constant 0 : i32
    %dma_wait3A_194 = arith.constant 0 : i32
    %dma_wait3A_195 = tpu.memref_slice %arg4[%add3A, %dma_wait3A_188, %dma_wait3A_193, %dma_wait3A_194] : memref<32x4x128x128xf32, #tpu.memory_space<hbm>> -> memref<1x1x128x128xf32, #tpu.memory_space<hbm>>
    %dma_wait3A_196 = tpu.memref_squeeze %dma_wait3A_195 : memref<1x1x128x128xf32, #tpu.memory_space<hbm>> -> memref<128x128xf32, #tpu.memory_space<hbm>>
    %dma_wait3A_197 = arith.constant 0 : i32
    %dma_wait3A_198 = arith.constant 0 : i32
    %dma_wait3A_199 = tpu.memref_slice %arg4[%add3A, %dma_wait3A_188, %dma_wait3A_197, %dma_wait3A_198] : memref<32x4x128x128xf32, #tpu.memory_space<hbm>> -> memref<1x1x128x128xf32, #tpu.memory_space<hbm>>
    %dma_wait3A_200 = tpu.memref_squeeze %dma_wait3A_199 : memref<1x1x128x128xf32, #tpu.memory_space<hbm>> -> memref<128x128xf32, #tpu.memory_space<hbm>>
    %dma_wait3A_201 = arith.constant 0 : i32
    %dma_wait3A_202 = arith.constant 0 : i32
    %dma_wait3A_203 = tpu.memref_slice %arg7[%dma_wait3A_187, %dma_wait3A_201, %dma_wait3A_202] : memref<4x128x128xf32, #tpu.memory_space<vmem>> -> memref<1x128x128xf32, #tpu.memory_space<vmem>>
    %dma_wait3A_204 = tpu.memref_squeeze %dma_wait3A_203 : memref<1x128x128xf32, #tpu.memory_space<vmem>> -> memref<128x128xf32, #tpu.memory_space<vmem>>
    tpu.wait_dma2 semaphore(%arg9 : memref<!tpu.dma_semaphore, #tpu.memory_space<semaphore_mem>>) src(%dma_wait3A_204 : memref<128x128xf32, #tpu.memory_space<vmem>>) dst(%dma_wait3A_200 : memref<128x128xf32, #tpu.memory_space<hbm>>)
    %dma_wait3A_205 = arith.constant 2 : i32
    %dma_wait3A_206 = arith.constant 2 : i32
    %dma_wait3A_207 = arith.constant 0 : i32
    %dma_wait3A_208 = arith.constant 0 : i32
    %dma_wait3A_209 = tpu.memref_slice %arg7[%dma_wait3A_205, %dma_wait3A_207, %dma_wait3A_208] : memref<4x128x128xf32, #tpu.memory_space<vmem>> -> memref<1x128x128xf32, #tpu.memory_space<vmem>>
    %dma_wait3A_210 = tpu.memref_squeeze %dma_wait3A_209 : memref<1x128x128xf32, #tpu.memory_space<vmem>> -> memref<128x128xf32, #tpu.memory_space<vmem>>
    %dma_wait3A_211 = arith.constant 0 : i32
    %dma_wait3A_212 = arith.constant 0 : i32
    %dma_wait3A_213 = tpu.memref_slice %arg4[%add3A, %dma_wait3A_206, %dma_wait3A_211, %dma_wait3A_212] : memref<32x4x128x128xf32, #tpu.memory_space<hbm>> -> memref<1x1x128x128xf32, #tpu.memory_space<hbm>>
    %dma_wait3A_214 = tpu.memref_squeeze %dma_wait3A_213 : memref<1x1x128x128xf32, #tpu.memory_space<hbm>> -> memref<128x128xf32, #tpu.memory_space<hbm>>
    %dma_wait3A_215 = arith.constant 0 : i32
    %dma_wait3A_216 = arith.constant 0 : i32
    %dma_wait3A_217 = tpu.memref_slice %arg4[%add3A, %dma_wait3A_206, %dma_wait3A_215, %dma_wait3A_216] : memref<32x4x128x128xf32, #tpu.memory_space<hbm>> -> memref<1x1x128x128xf32, #tpu.memory_space<hbm>>
    %dma_wait3A_218 = tpu.memref_squeeze %dma_wait3A_217 : memref<1x1x128x128xf32, #tpu.memory_space<hbm>> -> memref<128x128xf32, #tpu.memory_space<hbm>>
    %dma_wait3A_219 = arith.constant 0 : i32
    %dma_wait3A_220 = arith.constant 0 : i32
    %dma_wait3A_221 = tpu.memref_slice %arg7[%dma_wait3A_205, %dma_wait3A_219, %dma_wait3A_220] : memref<4x128x128xf32, #tpu.memory_space<vmem>> -> memref<1x128x128xf32, #tpu.memory_space<vmem>>
    %dma_wait3A_222 = tpu.memref_squeeze %dma_wait3A_221 : memref<1x128x128xf32, #tpu.memory_space<vmem>> -> memref<128x128xf32, #tpu.memory_space<vmem>>
    tpu.wait_dma2 semaphore(%arg9 : memref<!tpu.dma_semaphore, #tpu.memory_space<semaphore_mem>>) src(%dma_wait3A_222 : memref<128x128xf32, #tpu.memory_space<vmem>>) dst(%dma_wait3A_218 : memref<128x128xf32, #tpu.memory_space<hbm>>)
    %dma_wait3A_223 = arith.constant 3 : i32
    %dma_wait3A_224 = arith.constant 3 : i32
    %dma_wait3A_225 = arith.constant 0 : i32
    %dma_wait3A_226 = arith.constant 0 : i32
    %dma_wait3A_227 = tpu.memref_slice %arg7[%dma_wait3A_223, %dma_wait3A_225, %dma_wait3A_226] : memref<4x128x128xf32, #tpu.memory_space<vmem>> -> memref<1x128x128xf32, #tpu.memory_space<vmem>>
    %dma_wait3A_228 = tpu.memref_squeeze %dma_wait3A_227 : memref<1x128x128xf32, #tpu.memory_space<vmem>> -> memref<128x128xf32, #tpu.memory_space<vmem>>
    %dma_wait3A_229 = arith.constant 0 : i32
    %dma_wait3A_230 = arith.constant 0 : i32
    %dma_wait3A_231 = tpu.memref_slice %arg4[%add3A, %dma_wait3A_224, %dma_wait3A_229, %dma_wait3A_230] : memref<32x4x128x128xf32, #tpu.memory_space<hbm>> -> memref<1x1x128x128xf32, #tpu.memory_space<hbm>>
    %dma_wait3A_232 = tpu.memref_squeeze %dma_wait3A_231 : memref<1x1x128x128xf32, #tpu.memory_space<hbm>> -> memref<128x128xf32, #tpu.memory_space<hbm>>
    %dma_wait3A_233 = arith.constant 0 : i32
    %dma_wait3A_234 = arith.constant 0 : i32
    %dma_wait3A_235 = tpu.memref_slice %arg4[%add3A, %dma_wait3A_224, %dma_wait3A_233, %dma_wait3A_234] : memref<32x4x128x128xf32, #tpu.memory_space<hbm>> -> memref<1x1x128x128xf32, #tpu.memory_space<hbm>>
    %dma_wait3A_236 = tpu.memref_squeeze %dma_wait3A_235 : memref<1x1x128x128xf32, #tpu.memory_space<hbm>> -> memref<128x128xf32, #tpu.memory_space<hbm>>
    %dma_wait3A_237 = arith.constant 0 : i32
    %dma_wait3A_238 = arith.constant 0 : i32
    %dma_wait3A_239 = tpu.memref_slice %arg7[%dma_wait3A_223, %dma_wait3A_237, %dma_wait3A_238] : memref<4x128x128xf32, #tpu.memory_space<vmem>> -> memref<1x128x128xf32, #tpu.memory_space<vmem>>
    %dma_wait3A_240 = tpu.memref_squeeze %dma_wait3A_239 : memref<1x128x128xf32, #tpu.memory_space<vmem>> -> memref<128x128xf32, #tpu.memory_space<vmem>>
    tpu.wait_dma2 semaphore(%arg9 : memref<!tpu.dma_semaphore, #tpu.memory_space<semaphore_mem>>) src(%dma_wait3A_240 : memref<128x128xf32, #tpu.memory_space<vmem>>) dst(%dma_wait3A_236 : memref<128x128xf32, #tpu.memory_space<hbm>>)
    return
  }
}

module attributes {stable_mosaic.version = 14 : i64} {
  func.func @_table_body(%arg0: memref<64x128xf32, #tpu.memory_space<vmem>>, %arg1: memref<2x128xf32, #tpu.memory_space<vmem>>, %arg2: memref<64x128xf32, #tpu.memory_space<vmem>>, %arg3: memref<128x256xf32, #tpu.memory_space<vmem>>, %arg4: memref<1x128xf32, #tpu.memory_space<vmem>>, %arg5: memref<128x256xf32, #tpu.memory_space<vmem>>, %arg6: memref<1x128xf32, #tpu.memory_space<vmem>>, %arg7: memref<1x128xf32, #tpu.memory_space<vmem>>, %arg8: memref<136x128xf32, #tpu.memory_space<vmem>>) attributes {dimension_semantics = [], scalar_prefetch = 0 : i64, scratch_operands = 0 : i64, tpu.core_type = #tpu.core_type<tc>} {
    %get3A = arith.constant 0 : index
    %get3A_0 = arith.constant 0 : index
    %get3A_1 = vector.load %arg2[%get3A, %get3A_0] : memref<64x128xf32, #tpu.memory_space<vmem>>, vector<64x128xf32>
    %get3A_2 = arith.constant 0 : index
    %get3A_3 = arith.constant 0 : index
    %get3A_4 = vector.load %arg3[%get3A_2, %get3A_3] : memref<128x256xf32, #tpu.memory_space<vmem>>, vector<128x128xf32>
    %dot_general3A = arith.constant dense<0.000000e+00> : vector<64x128xf32>
    %dot_general3A_5 = tpu.matmul %get3A_1, %get3A_4, %dot_general3A {dimension_numbers = #tpu.dot_dimension_numbers<[1], [1], [0], [0], [0, 0, 1, 0], [], []>, transpose_lhs_hint = false} : vector<64x128xf32>, vector<128x128xf32>, vector<64x128xf32> -> vector<64x128xf32>
    %get3A_6 = arith.constant 0 : index
    %get3A_7 = arith.constant 0 : index
    %get3A_8 = vector.load %arg0[%get3A_6, %get3A_7] : memref<64x128xf32, #tpu.memory_space<vmem>>, vector<64x128xf32>
    %get3A_9 = arith.constant 0 : index
    %get3A_10 = arith.constant 128 : index
    %get3A_11 = vector.load %arg3[%get3A_9, %get3A_10] : memref<128x256xf32, #tpu.memory_space<vmem>>, vector<128x128xf32>
    %dot_general3A_12 = arith.constant dense<0.000000e+00> : vector<64x128xf32>
    %dot_general3A_13 = tpu.matmul %get3A_8, %get3A_11, %dot_general3A_12 {dimension_numbers = #tpu.dot_dimension_numbers<[1], [1], [0], [0], [0, 0, 1, 0], [], []>, transpose_lhs_hint = false} : vector<64x128xf32>, vector<128x128xf32>, vector<64x128xf32> -> vector<64x128xf32>
    %add3A = arith.addf %dot_general3A_5, %dot_general3A_13 : vector<64x128xf32>
    %get3A_14 = arith.constant 0 : index
    %get3A_15 = arith.constant 0 : index
    %get3A_16 = vector.load %arg4[%get3A_14, %get3A_15] : memref<1x128xf32, #tpu.memory_space<vmem>>, vector<1x128xf32>
    %add3A_17 = vector.broadcast %get3A_16 : vector<1x128xf32> to vector<64x128xf32>
    %add3A_18 = arith.addf %add3A, %add3A_17 : vector<64x128xf32>
    %get3A_19 = arith.constant 0 : index
    %get3A_20 = arith.constant 128 : index
    %get3A_21 = vector.load %arg5[%get3A_19, %get3A_20] : memref<128x256xf32, #tpu.memory_space<vmem>>, vector<128x128xf32>
    %dot_general3A_22 = arith.constant dense<0.000000e+00> : vector<64x128xf32>
    %dot_general3A_23 = tpu.matmul %add3A_18, %get3A_21, %dot_general3A_22 {dimension_numbers = #tpu.dot_dimension_numbers<[1], [1], [0], [0], [0, 0, 1, 0], [], []>, transpose_lhs_hint = false} : vector<64x128xf32>, vector<128x128xf32>, vector<64x128xf32> -> vector<64x128xf32>
    %get3A_24 = arith.constant 0 : index
    %get3A_25 = arith.constant 0 : index
    %get3A_26 = vector.load %arg6[%get3A_24, %get3A_25] : memref<1x128xf32, #tpu.memory_space<vmem>>, vector<1x128xf32>
    %add3A_27 = vector.broadcast %get3A_26 : vector<1x128xf32> to vector<64x128xf32>
    %add3A_28 = arith.addf %dot_general3A_23, %add3A_27 : vector<64x128xf32>
    %get3A_29 = arith.constant 0 : index
    %get3A_30 = arith.constant 0 : index
    %get3A_31 = vector.load %arg1[%get3A_29, %get3A_30] : memref<2x128xf32, #tpu.memory_space<vmem>>, vector<2x128xf32>
    %get3A_32 = arith.constant 0 : index
    %get3A_33 = arith.constant 0 : index
    %get3A_34 = vector.load %arg5[%get3A_32, %get3A_33] : memref<128x256xf32, #tpu.memory_space<vmem>>, vector<128x128xf32>
    %dot_general3A_35 = arith.constant dense<0.000000e+00> : vector<2x128xf32>
    %dot_general3A_36 = tpu.matmul %get3A_31, %get3A_34, %dot_general3A_35 {dimension_numbers = #tpu.dot_dimension_numbers<[1], [1], [0], [0], [0, 0, 1, 0], [], []>, transpose_lhs_hint = false} : vector<2x128xf32>, vector<128x128xf32>, vector<2x128xf32> -> vector<2x128xf32>
    %slice3A = vector.extract_strided_slice %dot_general3A_36 {offsets = [0, 0], sizes = [1, 128], strides = [1, 1]} : vector<2x128xf32> to vector<1x128xf32>
    %broadcast_in_dim3A = vector.shape_cast %slice3A : vector<1x128xf32> to vector<1x128xf32>
    %broadcast_in_dim3A_37 = vector.broadcast %broadcast_in_dim3A : vector<1x128xf32> to vector<64x128xf32>
    %add3A_38 = arith.addf %add3A_28, %broadcast_in_dim3A_37 : vector<64x128xf32>
    %swap3A = arith.constant 0 : index
    %swap3A_39 = arith.constant 0 : index
    %swap3A_40 = vector.load %arg8[%swap3A, %swap3A_39] : memref<136x128xf32, #tpu.memory_space<vmem>>, vector<64x128xf32>
    tpu.vector_store %arg8[%swap3A, %swap3A_39], %add3A_38 {strides = array<i32>} : memref<136x128xf32, #tpu.memory_space<vmem>>, vector<64x128xf32>,
    %slice3A_41 = vector.extract_strided_slice %dot_general3A_36 {offsets = [1, 0], sizes = [1, 128], strides = [1, 1]} : vector<2x128xf32> to vector<1x128xf32>
    %broadcast_in_dim3A_42 = vector.shape_cast %slice3A_41 : vector<1x128xf32> to vector<1x128xf32>
    %broadcast_in_dim3A_43 = vector.broadcast %broadcast_in_dim3A_42 : vector<1x128xf32> to vector<64x128xf32>
    %add3A_44 = arith.addf %add3A_28, %broadcast_in_dim3A_43 : vector<64x128xf32>
    %swap3A_45 = arith.constant 64 : index
    %swap3A_46 = arith.constant 0 : index
    %swap3A_47 = vector.load %arg8[%swap3A_45, %swap3A_46] : memref<136x128xf32, #tpu.memory_space<vmem>>, vector<64x128xf32>
    tpu.vector_store %arg8[%swap3A_45, %swap3A_46], %add3A_44 {strides = array<i32>} : memref<136x128xf32, #tpu.memory_space<vmem>>, vector<64x128xf32>,
    %get3A_48 = arith.constant 0 : index
    %get3A_49 = arith.constant 0 : index
    %get3A_50 = vector.load %arg7[%get3A_48, %get3A_49] : memref<1x128xf32, #tpu.memory_space<vmem>>, vector<1x128xf32>
    %broadcast_in_dim3A_51 = vector.shape_cast %get3A_50 : vector<1x128xf32> to vector<1x128xf32>
    %broadcast_in_dim3A_52 = vector.broadcast %broadcast_in_dim3A_51 : vector<1x128xf32> to vector<8x128xf32>
    %swap3A_53 = arith.constant 128 : index
    %swap3A_54 = arith.constant 0 : index
    %swap3A_55 = vector.load %arg8[%swap3A_53, %swap3A_54] : memref<136x128xf32, #tpu.memory_space<vmem>>, vector<8x128xf32>
    tpu.vector_store %arg8[%swap3A_53, %swap3A_54], %broadcast_in_dim3A_52 {strides = array<i32>} : memref<136x128xf32, #tpu.memory_space<vmem>>, vector<8x128xf32>,
    return
  }
}

</mosaic_0001>

<sc_bundles>
// kernel: kernel.4.cloned.1.call-start
scs
__scs_entry_jumppad:
0x0: {  	(pc) =	sbr.rel $0x88, $3  }
0x1: {  	(tag) =	ssettag $0x0;
	lr =	simm.s32 $0x1  }
0x2: {  	[smem:$0x3F99] =	sst lr;
	_ =	strace $0xD0000000  }
0x3: {  	_ = 	snop  }
0x4: {  	_ = 	snop  }
0x5: {  	_ = 	snop  }
0x6: {  	_ = 	snop  }
0x7: {  	_ = 	snop  }
__scs_overlays_trampoline_lowered:
0x8: {  	[smem:$0x3FA8] =	sst s0  }
0x9: {  	[smem:$0x3FA9] =	sst s1  }
0xa: {  	[smem:$0x3FAA] =	sst s2  }
0xb: {  	[smem:$0x3FAB] =	sst s3  }
0xc: {  	[smem:$0x3FAC] =	sst s4  }
0xd: {  	[smem:$0x3FAD] =	sst s5  }
0xe: {  	[smem:$0x3FAE] =	sst s6  }
0xf: {  	[smem:$0x3FAF] =	sst s7  }
0x10: {  	[smem:$0x3FB0] =	sst s8  }
0x11: {  	[smem:$0x3FB1] =	sst s9;
	s0 =	simm.s32 @!p0 $0x0  }
0x12: {  	s1 =	sld [smem:$0x3F97];
	s0 =	simm.s32 @p0 $0x1  }
0x13: {  	[smem:$0x3FB2] =	sst s0;
	s0 =	simm.s32 @!p1 $0x0  }
0x14: {  	s2 =	sld [smem:$0x3F96];
	s0 =	simm.s32 @p1 $0x1  }
0x15: {  	[smem:$0x3FB3] =	sst s0;
	s0 =	simm.s32 @!p2 $0x0  }
0x16: {  	s3 =	sld [smem:$0x3FDB];
	s0 =	simm.s32 @p2 $0x1  }
0x17: {  	s4 =	simm.s32 $0x1BF5;
	[smem:$0x3FB5] =	sst s0  }
0x18: {  	s0 =	sld [smem:$0x3F98];
	_ =	swait.ge [sflag:s4], $0x0  }
0x19: {  	s7 =	sld [smem:$0x3F99]  }
0x1a: {  	s8 =	sadd.s32 $0xFFFFE003, lr  }
0x1b: {  	s9 =	sadd.s32 $0xFFFFFEF7, lr;
	s5 =	simm.s32 $0xFFFFFFFF;
	p2 =	slt.u32 s8, $0xFFFFF086  }
0x1c: {  	p1 =	slt.u32 s9, $0xF7A;
	s5 =	simm.s32 @!p2 $0x0  }
0x1d: {  	s5 =	simm.s32 @p1 $0x1;
	p0 =	seq.s32 s7, s2  }
0x1e: {  	s7 =	smul.u32 @!p0 $0xF7A, s2;
	p2 =	seq.s32 @!p0 s5, $0x0  }
0x1f: {  	s9 =	smul.u32 $0xF7A, s1;
	s8 =	simm.s32 @!p0 $0x1BF5;
	p2 =	por !p2, p0  }
0x20: {  	[sflag:s8] =	ssyncset.s32 @!p0 $0xFFFFF086;
	s6 =	sadd.s32 @!p0 s3, s7;
	s7 =	simm.s32 @!p0 $0x108  }
0x21: {  	s3 =	sadd.s32 s3, s9;
	s6 =	sadd.s32 @!p0 $0x88, s6;
	s7 =	simm.s32 @p2 $0x1082  }
0x22: {  	[simem:s7], [sflag:s8] =	dma.local @!p0 [hbm:s6], $0xF7A  }
0x23: {  	s9 =	sor.u32 $0xD0000000, s2;
	s6 =	simm.s32 $0x108;
	_ =	swait.ge @!p0 [sflag:s8], $0x0  }
0x24: {  	s3 =	sadd.s32 $0x88, s3;
	s6 =	simm.s32 @!p1 $0x1082;
	[sflag:s4] =	ssyncset.s32 $0xFFFFF086  }
0x25: {  	[simem:s6], [sflag:s4] =	dma.local [hbm:s3], $0xF7A  }
0x26: {  	[smem:$0x3F99] =	sst s1;
	(tag) =	ssettag s2;
	_ =	strace s9  }
0x27: {  	s1 =	sld [smem:$0x3FA9]  }
0x28: {  	s2 =	sld [smem:$0x3FAA]  }
0x29: {  	s4 =	sld [smem:$0x3FAC]  }
0x2a: {  	p0 =	seq.s32 s5, $0x0;
	s5 =	sld [smem:$0x3FAD]  }
0x2b: {  	s6 =	sld [smem:$0x3FAE]  }
0x2c: {  	s7 =	sld [smem:$0x3FAF]  }
0x2d: {  	s3 =	simm.s32 $0x108;
	s8 =	sld [smem:$0x3FB0]  }
0x2e: {  	s3 =	simm.s32 @!p0 $0x1082;
	s9 =	sld [smem:$0x3FB1]  }
0x2f: {  	lr =	sadd.s32 s0, s3;
	s0 =	sld [smem:$0x3FA8]  }
0x30: {  	s3 =	sld [smem:$0x3FAB]  }
0x31: {  	[smem:$0x3FB4] =	sst s10  }
0x32: {  	s10 =	sld [smem:$0x3FB2];
	_ =	sdelay $0x3  }
0x33: {  	p0 =	seq.s32 s10, $0x1;
	s10 =	sld [smem:$0x3FB4];
	_ =	sdelay $0x3  }
0x34: {  	[smem:$0x3FB4] =	sst s10  }
0x35: {  	s10 =	sld [smem:$0x3FB3];
	_ =	sdelay $0x3  }
0x36: {  	p1 =	seq.s32 s10, $0x1;
	s10 =	sld [smem:$0x3FB4];
	_ =	sdelay $0x3  }
0x37: {  	[smem:$0x3FB4] =	sst s10  }
0x38: {  	s10 =	sld [smem:$0x3FB5]  }
0x39: {  	_ = 	snop;
	(pc) =	sbr.ind lr, $3  }
0x3a: {  	_ = 	snop  }
0x3b: {  	_ = 	snop  }
0x3c: {  	p2 =	seq.s32 s10, $0x1;
	s10 =	sld [smem:$0x3FB4]  }
0x3d: {  	_ =	shalt  }
0x3e: {  	_ =	shalt  }
0x3f: {  	_ =	shalt  }
0x40: {  	_ =	shalt  }
0x41: {  	_ =	shalt  }
0x42: {  	_ =	shalt  }
0x43: {  	_ =	shalt  }
0x44: {  	_ =	shalt  }
0x45: {  	_ =	shalt  }
0x46: {  	_ =	shalt  }
0x47: {  	_ =	shalt  }
0x48: {  	_ =	shalt  }
0x49: {  	_ =	shalt  }
0x4a: {  	_ =	shalt  }
0x4b: {  	_ =	shalt  }
0x4c: {  	_ =	shalt  }
0x4d: {  	_ =	shalt  }
0x4e: {  	_ =	shalt  }
0x4f: {  	_ =	shalt  }
0x50: {  	_ =	shalt  }
0x51: {  	_ =	shalt  }
0x52: {  	_ =	shalt  }
0x53: {  	_ =	shalt  }
0x54: {  	_ =	shalt  }
0x55: {  	_ =	shalt  }
0x56: {  	_ =	shalt  }
0x57: {  	_ =	shalt  }
0x58: {  	_ =	shalt  }
0x59: {  	_ =	shalt  }
0x5a: {  	_ =	shalt  }
0x5b: {  	_ =	shalt  }
0x5c: {  	_ =	shalt  }
0x5d: {  	_ =	shalt  }
0x5e: {  	_ =	shalt  }
0x5f: {  	_ =	shalt  }
0x60: {  	_ =	shalt  }
0x61: {  	_ =	shalt  }
0x62: {  	_ =	shalt  }
0x63: {  	_ =	shalt  }
0x64: {  	_ =	shalt  }
0x65: {  	_ =	shalt  }
0x66: {  	_ =	shalt  }
0x67: {  	_ =	shalt  }
0x68: {  	_ =	shalt  }
0x69: {  	_ =	shalt  }
0x6a: {  	_ =	shalt  }
0x6b: {  	_ =	shalt  }
0x6c: {  	_ =	shalt  }
0x6d: {  	_ =	shalt  }
0x6e: {  	_ =	shalt  }
0x6f: {  	_ =	shalt  }
0x70: {  	_ =	shalt  }
0x71: {  	_ =	shalt  }
0x72: {  	_ =	shalt  }
0x73: {  	_ =	shalt  }
0x74: {  	_ =	shalt  }
0x75: {  	_ =	shalt  }
0x76: {  	_ =	shalt  }
0x77: {  	_ =	shalt  }
0x78: {  	_ =	shalt  }
0x79: {  	_ =	shalt  }
0x7a: {  	_ =	shalt  }
0x7b: {  	_ =	shalt  }
0x7c: {  	_ =	shalt  }
0x7d: {  	_ =	shalt  }
0x7e: {  	_ =	shalt  }
0x7f: {  	_ =	shalt  }
0x80: {  	_ =	shalt  }
0x81: {  	_ =	shalt  }
0x82: {  	_ =	shalt  }
0x83: {  	_ =	shalt  }
0x84: {  	_ =	shalt  }
0x85: {  	_ =	shalt  }
0x86: {  	_ =	shalt  }
0x87: {  	_ =	shalt  }
.Lfunc_end0:
.L_simem_size_0:
called_computation_lowered:
.L_overlay_start_0:
0x88: {  	s2 =	sld [smem:$0x3FD9]  }
0x89: {  	s3 =	sld [smem:$0x3FFE];
	_ =	sdelay $0x1  }
0x8a: {  	s1 =	srdreg.scid  }
0x8b: {  	s0 =	sand.u32 $0x1, s1  }
0x8c: {  	s17 =	sshll.u32 s0, $0xA;
	s2 =	sadd.s32 s3, s2  }
0x8d: {  	s2 =	sadd.s32 s2, s17  }
0x8e: {  	[smem:$0x3FC0] =	sst s2  }
0x8f: {  	_ = 	snop  }
0x90: {  	s2 =	sld [smem:$0x3FC9]  }
0x91: {  	s18 =	sld [smem:$0x3FD0];
	(tm) =	ssettm $0x1  }
0x92: {  	s4 =	sld [smem:$0x3FFB];
	_ =	sdelay $0x3  }
0x93: {  	_ =	strace s4  }
0x94: {  	s4 =	sld [smem:$0x3FFC];
	_ =	sdelay $0x3  }
0x95: {  	_ =	strace s4  }
0x96: {  	s4 =	sld [smem:$0x3FFD];
	_ =	sdelay $0x3  }
0x97: {  	_ =	strace s4  }
0x98: {  	_ =	strace $0x8FFFFFFF  }
0x99: {  	s19 =	sld [smem:$0x3FDB];
	_ =	sdelay $0x1  }
0x9a: {  	s5 =	simm.s32 $_scs_section_size  }
0x9b: {  	s6 =	simm.s32 $_size__tile_overlayer_lowered;
	s7 =	simm.s32 $_tile_overlayer_lowered  }
0x9c: {  	s22 =	simm.s32 $0x1BFF;
	s21 =	sshll.u32 s7, $0x1;
	s4 =	sadd.s32 s5, s19  }
0x9d: {  	s8 =	simm.s32 $0x0;
	s20 =	sshll.u32 s6, $0x1;
	s6 =	sadd.s32 s21, s4  }
0x9e: {  	[timem:s8], [sflag:s22] =	dma.local [hbm:s6], s20  }
0x9f: {  	_ =	swait.ge [sflag:s22], s20  }
0xa0: {  	s5 =	ssub.s32 $0x0, s20;
	[sflag:s22] =	ssyncset.done $0x0  }
0xa1: {  	[sflag:s22] =	ssyncadd.s32 s5;
	_ =	sdelay $0x1  }
0xa2: {  	s23 =	simm.s32 $0x1B8B  }
0xa3: {  	_ =	swait.ge [sflag:s23], $0x1  }
0xa4: {  	[sflag:s23] =	ssyncset.done $0x0  }
0xa5: {  	s25 =	simm.s32 $0x1B8E;
	s24 =	sld [smem:$0x3FFE];
	[sflag:s23] =	ssyncadd.s32 $0xFFFFFFFF  }
0xa6: {  	s26 =	simm.s32 $execute0_lowered;
	[smem:$0x3FD2] =	sst s25  }
0xa7: {  	s6 =	sshll.u32 s26, $0x1;
	_ =	strace $0x80000046;
	[dreg:$0x1] =	wrdreg $0xFFFFFFFF  }
0xa8: {  	s28 =	simm.s32 $_size_execute0_lowered;
	s4 =	sadd.s32 s4, s6;
	[dreg:$0x0] =	wrdreg $0x0  }
0xa9: {  	s6 =	sshll.u32 s28, $0x1;
	[dreg:$0x2] =	wrdreg s4  }
0xaa: {  	[dreg:$0x3] =	wrdreg s6  }
0xab: {  	[dreg:$0x4] =	wrdreg $0xC0  }
0xac: {  	_ =	task [dreg:s8], $0x5FFFF  }
0xad: {  	[dreg:$0x1] =	wrdreg $0xFFFFFFFF  }
0xae: {  	[dreg:$0x0] =	wrdreg $0x60  }
0xaf: {  	[dreg:$0x2] =	wrdreg s24  }
0xb0: {  	[dreg:$0x3] =	wrdreg s2  }
0xb1: {  	[dreg:$0x4] =	wrdreg s18  }
0xb2: {  	[dreg:$0x5] =	wrdreg $0x0  }
0xb3: {  	[dreg:$0x6] =	wrdreg $0x9  }
0xb4: {  	_ =	task.clear_ibuf [dreg:s8], $0x7FFFF;
	_ =	strace $0x90000046  }
0xb5: {  	s29 =	simm.s32 $0x9;
	_ =	strace $0x80000048  }
0xb6: {  	_ =	swait.ge [sflag:s29], $0x1  }
0xb7: {  	[sflag:s29] =	ssyncadd.s32 $0xFFFFFFFF  }
0xb8: {  	_ =	strace $0x90000048  }
0xb9: {  	_ =	sfence  }
0xba: {  	s30 =	sld [smem:$0x0];
	_ =	sdelay $0x2  }
0xbb: {  	s31 =	sshll.u32 s1, $0xD;
	s1 =	sshrl.u32 s1, $0x2  }
0xbc: {  	s3 =	sand.u32 $0x4000, s31;
	s1 =	sadd.s32 s1, s30  }
0xbd: {  	s0 =	sor.u32 s3, s0;
	s1 =	sshll.u32 s1, $0x11  }
0xbe: {  	s0 =	sor.u32 s1, s0  }
0xbf: {  	s0 =	sadd.s32 $0x8F2B, s0  }
0xc0: {  	[sflag:s0] =	ssyncadd.remote.s32 $0x1  }
0xc1: {  	_ =	sfence.sel $0xFFFF  }
0xc2: {  	[dreg:$0x0] =	wrdreg $0xFFFFFFFF;
	(pc) =	sbr.abs _section_cstart, $3  }
0xc3: {  	[dreg:$0x1] =	wrdreg $0xFFFFFFFF  }
0xc4: {  	_ =	task.clear_ibuf [dreg:s8], $0x2FFFF;
	_ =	strace $0x9FFFFFFF  }
0xc5: {  	(tm) =	ssettm $0x7FFFFFFF  }
tec
execute0_lowered:
.L_overlay_start_1:
0x0: {  	(tag) =	ssettag $0x1  }
0x1: {  	s3 =	rddreg [dreg:$0x0]  }
0x2: {  	s4 =	rddreg [dreg:$0x1]  }
0x3: {  	s5 =	rddreg [dreg:$0x2]  }
0x4: {  	s2 =	rddreg [dreg:$0x3]  }
0x5: {  	s0 =	rddreg [dreg:$0x4];
	s1 =	simm.s32 $0x0;
	s6 =	srdreg.scid  }
0x6: {  	s8 =	stileid.u32;
	s16 =	simm.s32 $0x440;
	s6 =	sand.u32 $0x1, s6  }
0x7: {  	s17 =	simm.s32 $0x3;
	s15 =	simm.s32 $0x80;
	s29 =	ssub.s32 $0x2, s6  }
0x8: {  	s13 =	simm.s32 $0x640;
	s18 =	simm.s32 $0x4C0;
	s30 =	sshrl.u32 s29, $0x1  }
0x9: {  	s19 =	simm.s32 $0x540;
	s20 =	simm.s32 $0x5C0;
	s11 =	ssub.s32 s29, s30  }
0xa: {  	s12 =	simm.s32 $0x1;
	p1 =	por $0x0, $0x0;
	s31 =	smax.u32 s11, $0x1  }
0xb: {  	[smem:$0x7FF] =	sst s1;
	s7 =	sshll.u32 s8, $0x1;
	s24 =	sadd.s32 $0xFFFFFFFF, s31  }
0xc: {  	s10 =	sadd.s32 $0x1600, s3;
	p0 =	sne.s32 s8, $0x0;
	p2 =	sne.s32 s24, $0x0  }
.Ltmp0:
0xd: {  	s8 =	simm.s32 $0xC640;
	s6 =	sor.u32 s6, s7;
	(pc) =	sbr.rel @!p2 .LBB2_3-.Ltmp0, $4  }
0xe: {  	_ =	strace $0x80000047;
	s9 =	sshll.u32 s6, $0x6;
	s6 =	sshll.u32 s6, $0xD  }
0xf: {  	s21 =	sshrl.u32 @!p0 s2, $0x3;
	s14 =	sadd.s32 s4, s9;
	s7 =	sadd.s32 s5, s6  }
0x10: {  	s9 =	simm.s32 $0x8640;
	s5 =	simm.s32 $0x2;
	s6 =	sadd.s32 $0x800, s7  }
0x11: {  	s4 =	sadd.s32 $0x1000, s7;
	s3 =	sadd.s32 $0x1800, s7;
	s11 =	simm.s32 $0x4640  }
0x12: {  	s22 =	simm.s32 @!p0 $0x1C03;
	s23 =	simm.s32 @!p0 $0x3  }
0x13: {  	[spmem:s21], [sflag:s22] =	dma.local @!p0 [hbm:s10], $0x880  }
0x14: {  	_ =	swait.ge @!p0 [sflag:s23], $0x880  }
0x15: {  	[sflag:s23] =	ssyncset.done @!p0 $0x0  }
0x16: {  	[sflag:s23] =	ssyncadd.s32 @!p0 $0xFFFFF780  }
0x17: {  	[tilespmem:s16], [sflag:$0x3] =	stream.linear.gather [hbm4b:s14+s1], $0x200, $0x38;
	[tilespmem:$0x10640] =	vst v63  }
0x18: {  	_ =	swait.ge [sflag:s17], $0x200  }
0x19: {  	[sflag:s17] =	ssyncset.done $0x0  }
0x1a: {  	[sflag:s17] =	ssyncadd.s32 $0xFFFFFE00  }
0x1b: {  	[bflag:$0x0] =	sbarrier.arrive $0xFFFF  }
0x1c: {  	[tilespmem:s13], [sflag:$0x1] =	stream.indirect.gather [spmem:s2], $0x80, s16, s15, $0xb8;
	[tilespmem:$0x10640] =	vst v63  }
0x1d: {  	_ = 	snop  }
0x1e: {  	[tilespmem:s11], [sflag:$0x1] =	stream.indirect.gather [spmem:s2], $0x80, s18, s15, $0xb8;
	[tilespmem:$0x10640] =	vst v63  }
0x1f: {  	_ = 	snop  }
0x20: {  	[tilespmem:s9], [sflag:$0x1] =	stream.indirect.gather [spmem:s2], $0x80, s19, s15, $0xb8;
	[tilespmem:$0x10640] =	vst v63  }
0x21: {  	_ = 	snop  }
0x22: {  	[tilespmem:s8], [sflag:$0x1] =	stream.indirect.gather [spmem:s2], $0x80, s20, s15, $0xb8;
	[tilespmem:$0x10640] =	vst v63  }
0x23: {  	_ =	swait.ge [sflag:s12], $0x4000  }
0x24: {  	[sflag:s12] =	ssyncset.done $0x0  }
0x25: {  	[sflag:s12] =	ssyncadd.s32 $0xFFFFC000  }
0x26: {  	[hbm4b:s7+s1] =	stream.linear.scatter [tilespmem:s13], [sflag:$0x2], $0x4000, $0x38;
	[tilespmem:$0x10640] =	vst v63  }
0x27: {  	_ =	swait.ge [sflag:s12], $0x4000  }
0x28: {  	[sflag:s12] =	ssyncset.done $0x0  }
0x29: {  	[sflag:s12] =	ssyncadd.s32 $0xFFFFC000  }
0x2a: {  	[hbm4b:s6+s1] =	stream.linear.scatter [tilespmem:s11], [sflag:$0x2], $0x4000, $0x38;
	[tilespmem:$0x10640] =	vst v63  }
0x2b: {  	_ =	swait.ge [sflag:s12], $0x4000  }
0x2c: {  	[sflag:s12] =	ssyncset.done $0x0  }
0x2d: {  	[sflag:s12] =	ssyncadd.s32 $0xFFFFC000  }
0x2e: {  	[hbm4b:s4+s1] =	stream.linear.scatter [tilespmem:s9], [sflag:$0x2], $0x4000, $0x38;
	[tilespmem:$0x10640] =	vst v63  }
0x2f: {  	_ =	swait.ge [sflag:s12], $0x4000  }
0x30: {  	[sflag:s12] =	ssyncset.done $0x0  }
0x31: {  	[sflag:s12] =	ssyncadd.s32 $0xFFFFC000  }
0x32: {  	[hbm4b:s3+s1] =	stream.linear.scatter [tilespmem:s8], [sflag:$0x2], $0x4000, $0x38;
	[tilespmem:$0x10640] =	vst v63  }
0x33: {  	_ =	swait.ge [sflag:s5], $0x4000  }
0x34: {  	[sflag:s5] =	ssyncset.done $0x0  }
0x35: {  	[sflag:s5] =	ssyncadd.s32 $0xFFFFC000  }
0x36: {  	_ =	swait.ge [sflag:s5], $0x4000  }
0x37: {  	s24 =	sadd.s32 $0xFFFFFFFF, s24;
	[sflag:s5] =	ssyncset.done $0x0  }
0x38: {  	p2 =	sne.s32 s24, $0x0;
	[sflag:s5] =	ssyncadd.s32 $0xFFFFC000  }
.Ltmp1:
0x39: {  	_ =	swait.ge [sflag:s5], $0x4000;
	(pc) =	sbr.rel @!p2 .LBB2_3-.Ltmp1, $4  }
0x3a: {  	[sflag:s5] =	ssyncset.done $0x0  }
0x3b: {  	[sflag:s5] =	ssyncadd.s32 $0xFFFFC000  }
0x3c: {  	_ =	swait.ge [sflag:s5], $0x4000  }
0x3d: {  	p1 =	por $0x1, $0x1;
	[sflag:s5] =	ssyncset.done $0x0  }
.LBB2_2:
0x3e: {  	[sflag:s5] =	ssyncadd.s32 $0xFFFFC000  }
0x3f: {  	[spmem:s21], [sflag:s22] =	dma.local @!p0 [hbm:s10], $0x880  }
0x40: {  	s24 =	sadd.s32 $0xFFFFFFFF, s24;
	_ =	swait.ge @!p0 [sflag:s23], $0x880  }
0x41: {  	p2 =	sne.s32 s24, $0x0;
	[sflag:s23] =	ssyncset.done @!p0 $0x0  }
0x42: {  	[sflag:s23] =	ssyncadd.s32 @!p0 $0xFFFFF780  }
0x43: {  	[tilespmem:s16], [sflag:$0x3] =	stream.linear.gather [hbm4b:s14+s1], $0x200, $0x38;
	[tilespmem:$0x10640] =	vst v63  }
0x44: {  	_ =	swait.ge [sflag:s17], $0x200  }
0x45: {  	[sflag:s17] =	ssyncset.done $0x0  }
0x46: {  	[sflag:s17] =	ssyncadd.s32 $0xFFFFFE00  }
0x47: {  	[bflag:$0x0] =	sbarrier.arrive $0xFFFF  }
0x48: {  	[tilespmem:s13], [sflag:$0x1] =	stream.indirect.gather [spmem:s2], $0x80, s16, s15, $0xb8;
	[tilespmem:$0x10640] =	vst v63  }
0x49: {  	_ = 	snop  }
0x4a: {  	[tilespmem:s11], [sflag:$0x1] =	stream.indirect.gather [spmem:s2], $0x80, s18, s15, $0xb8;
	[tilespmem:$0x10640] =	vst v63  }
0x4b: {  	_ = 	snop  }
0x4c: {  	[tilespmem:s9], [sflag:$0x1] =	stream.indirect.gather [spmem:s2], $0x80, s19, s15, $0xb8;
	[tilespmem:$0x10640] =	vst v63  }
0x4d: {  	_ = 	snop  }
0x4e: {  	[tilespmem:s8], [sflag:$0x1] =	stream.indirect.gather [spmem:s2], $0x80, s20, s15, $0xb8;
	[tilespmem:$0x10640] =	vst v63  }
0x4f: {  	_ =	swait.ge [sflag:s12], $0x4000  }
0x50: {  	[sflag:s12] =	ssyncset.done $0x0  }
0x51: {  	[sflag:s12] =	ssyncadd.s32 $0xFFFFC000  }
0x52: {  	[hbm4b:s7+s1] =	stream.linear.scatter [tilespmem:s13], [sflag:$0x2], $0x4000, $0x38;
	[tilespmem:$0x10640] =	vst v63  }
0x53: {  	_ =	swait.ge [sflag:s12], $0x4000  }
0x54: {  	[sflag:s12] =	ssyncset.done $0x0  }
0x55: {  	[sflag:s12] =	ssyncadd.s32 $0xFFFFC000  }
0x56: {  	[hbm4b:s6+s1] =	stream.linear.scatter [tilespmem:s11], [sflag:$0x2], $0x4000, $0x38;
	[tilespmem:$0x10640] =	vst v63  }
0x57: {  	_ =	swait.ge [sflag:s12], $0x4000  }
0x58: {  	[sflag:s12] =	ssyncset.done $0x0  }
0x59: {  	[sflag:s12] =	ssyncadd.s32 $0xFFFFC000  }
0x5a: {  	[hbm4b:s4+s1] =	stream.linear.scatter [tilespmem:s9], [sflag:$0x2], $0x4000, $0x38;
	[tilespmem:$0x10640] =	vst v63  }
0x5b: {  	_ =	swait.ge [sflag:s12], $0x4000  }
0x5c: {  	[sflag:s12] =	ssyncset.done $0x0  }
0x5d: {  	[sflag:s12] =	ssyncadd.s32 $0xFFFFC000  }
0x5e: {  	[hbm4b:s3+s1] =	stream.linear.scatter [tilespmem:s8], [sflag:$0x2], $0x4000, $0x38;
	[tilespmem:$0x10640] =	vst v63  }
0x5f: {  	_ =	swait.ge [sflag:s5], $0x4000  }
0x60: {  	[sflag:s5] =	ssyncset.done $0x0  }
0x61: {  	[sflag:s5] =	ssyncadd.s32 $0xFFFFC000  }
0x62: {  	_ =	swait.ge [sflag:s5], $0x4000  }
0x63: {  	[sflag:s5] =	ssyncset.done $0x0  }
0x64: {  	[sflag:s5] =	ssyncadd.s32 $0xFFFFC000  }
.Ltmp2:
0x65: {  	_ =	swait.ge [sflag:s5], $0x4000;
	(pc) =	sbr.rel @p2 .LBB2_2-.Ltmp2, $4  }
0x66: {  	[sflag:s5] =	ssyncset.done $0x0  }
0x67: {  	[sflag:s5] =	ssyncadd.s32 $0xFFFFC000  }
0x68: {  	_ =	swait.ge [sflag:s5], $0x4000  }
0x69: {  	[sflag:s5] =	ssyncset.done $0x0  }
.LBB2_3:
0x6a: {  	s22 =	simm.s32 @!p0 $0x1C03;
	s23 =	simm.s32 @!p0 $0x3;
	[sflag:s5] =	ssyncadd.s32 @p1 $0xFFFFC000  }
0x6b: {  	[spmem:s21], [sflag:s22] =	dma.local @!p0 [hbm:s10], $0x880  }
0x6c: {  	_ =	swait.ge @!p0 [sflag:s23], $0x880  }
0x6d: {  	[sflag:s23] =	ssyncset.done @!p0 $0x0  }
0x6e: {  	[sflag:s23] =	ssyncadd.s32 @!p0 $0xFFFFF780  }
0x6f: {  	[tilespmem:s16], [sflag:$0x3] =	stream.linear.gather [hbm4b:s14+s1], $0x200, $0x38;
	[tilespmem:$0x10640] =	vst v63  }
0x70: {  	_ =	swait.ge [sflag:s17], $0x200  }
0x71: {  	[sflag:s17] =	ssyncset.done $0x0  }
0x72: {  	[sflag:s17] =	ssyncadd.s32 $0xFFFFFE00  }
0x73: {  	[bflag:$0x0] =	sbarrier.arrive $0xFFFF  }
0x74: {  	[tilespmem:s13], [sflag:$0x1] =	stream.indirect.gather [spmem:s2], $0x80, s16, s15, $0xb8;
	[tilespmem:$0x10640] =	vst v63  }
0x75: {  	_ = 	snop  }
0x76: {  	[tilespmem:s11], [sflag:$0x1] =	stream.indirect.gather [spmem:s2], $0x80, s18, s15, $0xb8;
	[tilespmem:$0x10640] =	vst v63  }
0x77: {  	_ = 	snop  }
0x78: {  	[tilespmem:s9], [sflag:$0x1] =	stream.indirect.gather [spmem:s2], $0x80, s19, s15, $0xb8;
	[tilespmem:$0x10640] =	vst v63  }
0x79: {  	_ = 	snop  }
0x7a: {  	[tilespmem:s8], [sflag:$0x1] =	stream.indirect.gather [spmem:s2], $0x80, s20, s15, $0xb8;
	[tilespmem:$0x10640] =	vst v63  }
0x7b: {  	_ =	swait.ge [sflag:s12], $0x4000  }
0x7c: {  	[sflag:s12] =	ssyncset.done $0x0  }
0x7d: {  	[sflag:s12] =	ssyncadd.s32 $0xFFFFC000  }
0x7e: {  	[hbm4b:s7+s1] =	stream.linear.scatter [tilespmem:s13], [sflag:$0x2], $0x4000, $0x38;
	[tilespmem:$0x10640] =	vst v63  }
0x7f: {  	_ =	swait.ge [sflag:s12], $0x4000  }
0x80: {  	[sflag:s12] =	ssyncset.done $0x0  }
0x81: {  	[sflag:s12] =	ssyncadd.s32 $0xFFFFC000  }
0x82: {  	[hbm4b:s6+s1] =	stream.linear.scatter [tilespmem:s11], [sflag:$0x2], $0x4000, $0x38;
	[tilespmem:$0x10640] =	vst v63  }
0x83: {  	_ =	swait.ge [sflag:s12], $0x4000  }
0x84: {  	[sflag:s12] =	ssyncset.done $0x0  }
0x85: {  	[sflag:s12] =	ssyncadd.s32 $0xFFFFC000  }
0x86: {  	[hbm4b:s4+s1] =	stream.linear.scatter [tilespmem:s9], [sflag:$0x2], $0x4000, $0x38;
	[tilespmem:$0x10640] =	vst v63  }
0x87: {  	_ =	swait.ge [sflag:s12], $0x4000  }
0x88: {  	[sflag:s12] =	ssyncset.done $0x0  }
0x89: {  	[sflag:s12] =	ssyncadd.s32 $0xFFFFC000  }
0x8a: {  	[hbm4b:s3+s1] =	stream.linear.scatter [tilespmem:s8], [sflag:$0x2], $0x4000, $0x38;
	[tilespmem:$0x10640] =	vst v63  }
0x8b: {  	_ =	swait.ge [sflag:s5], $0x4000  }
0x8c: {  	[sflag:s5] =	ssyncset.done $0x0  }
0x8d: {  	[sflag:s5] =	ssyncadd.s32 $0xFFFFC000  }
0x8e: {  	_ =	swait.ge [sflag:s5], $0x4000  }
0x8f: {  	[sflag:s5] =	ssyncset.done $0x0  }
0x90: {  	[sflag:s5] =	ssyncadd.s32 $0xFFFFC000  }
0x91: {  	_ =	swait.ge [sflag:s5], $0x4000  }
0x92: {  	[sflag:s5] =	ssyncset.done $0x0  }
0x93: {  	[sflag:s5] =	ssyncadd.s32 $0xFFFFC000  }
0x94: {  	_ =	swait.ge [sflag:s5], $0x4000  }
0x95: {  	[sflag:s5] =	ssyncset.done $0x0  }
0x96: {  	[sflag:s5] =	ssyncadd.s32 $0xFFFFC000  }
0x97: {  	_ =	sfence.sel $0x180000  }
0x98: {  	[bflag:$0x0] =	sbarrier.arrive $0xFFFF  }
0x99: {  	_ =	strace $0x90000047  }
0x9a: {  	s0 =	sadd.s32 @!p0 $0x100000, s0;
	[bflag:$0x2] =	sbarrier.arrive $0xFFFF  }
0x9b: {  	[sflag:s0] =	ssyncadd.tile.s32 @!p0 $0x1;
	_ =	shalt  }
.Lfunc_end2:
_tile_overlayer_lowered:
.L_overlay_start_2:
0x9c: {  	(tag) =	ssettag $0x2  }
0x9d: {  	s0 =	rddreg [dreg:$0x0];
	s2 =	stileid.u32  }
0x9e: {  	s1 =	rddreg [dreg:$0x1];
	p0 =	sne.s32 s2, $0x0  }
0x9f: {  	s3 =	rddreg [dreg:$0x2];
	[bflag:$0x3] =	sbarrier.arrive $0xFFFF;
	s2 =	simm.s32 @!p0 $0x1C03  }
0xa0: {  	[timem:s3], [sflag:s2] =	dma.local @!p0 [hbm:s0], s1  }
0xa1: {  	s0 =	simm.s32 @!p0 $0x3  }
0xa2: {  	_ =	swait.ge @!p0 [sflag:s0], s1  }
0xa3: {  	s1 =	ssub.s32 @!p0 $0x0, s1;
	[sflag:s0] =	ssyncset.done @!p0 $0x0  }
0xa4: {  	[sflag:s0] =	ssyncadd.s32 @!p0 s1  }
0xa5: {  	[bflag:$0x3] =	sbarrier.arrive $0xFFFF  }
0xa6: {  	_ =	shalt  }

</sc_bundles>
